<compile_context>
chip_gen: v7x
topology: tpu7x:2x2x1
jax: 0.10.2.dev20260603
libtpu: 0.0.44.dev20260713+nightly
codegen_flags: <defaults>
</compile_context>

<pallas_src>
import functools

import jax
import jax.numpy as jnp
import numpy as np
from jax import lax
from jax.experimental import pallas as pl
from jax.experimental.pallas import tpu as pltpu
from jax.experimental.pallas import tpu_sc as plsc

_EXITS = [5, 10, 15, 18]
_CAP = 0.7
_HD = 64
_NEG = -1e9


def _pallas_call(*args, **kwargs):
    return pl.pallas_call(*args, **kwargs)


def _bf(x):
    return x.astype(jnp.bfloat16)


def _embed_gather(embed, ids):
    V, D = embed.shape
    S = ids.shape[0]
    info = plsc.get_sparse_core_info()
    NC, NS = info.num_cores, info.num_subcores
    NW = NC * NS
    b_per_w = S // NW
    mesh = plsc.VectorSubcoreMesh(core_axis_name="c", subcore_axis_name="s")

    @functools.partial(
        pl.kernel,
        mesh=mesh,
        out_type=jax.ShapeDtypeStruct((S, D), jnp.float32),
        scratch_types=[
            pltpu.VMEM((b_per_w,), jnp.int32),
            pltpu.VMEM((b_per_w, D), jnp.float32),
            pltpu.SemaphoreType.DMA,
        ],
    )
    def gk(table_hbm, idx_hbm, out_hbm, idx_v, rows_v, sem):
        wid = lax.axis_index("s") * NC + lax.axis_index("c")
        base = wid * b_per_w
        pltpu.sync_copy(idx_hbm.at[pl.ds(base, b_per_w)], idx_v)
        pltpu.async_copy(table_hbm.at[idx_v], rows_v, sem).wait()
        pltpu.sync_copy(rows_v, out_hbm.at[pl.ds(base, b_per_w)])

    return gk(embed, ids)


_MB = 1024


def _qkv3_body(x_ref, wq_ref, wk_ref, wv_ref, o_ref):
    xb = _bf(x_ref[...])
    D = x_ref.shape[1]
    o_ref[:, 0:D] = jnp.dot(xb, _bf(wq_ref[...]), preferred_element_type=jnp.float32)
    o_ref[:, D:2 * D] = jnp.dot(xb, _bf(wk_ref[...]), preferred_element_type=jnp.float32)
    o_ref[:, 2 * D:3 * D] = jnp.dot(xb, _bf(wv_ref[...]), preferred_element_type=jnp.float32)


def _qkv3_call(x, wq, wk, wv):
    S, D = x.shape
    return _pallas_call(
        _qkv3_body,
        grid=(S // _MB,),
        in_specs=[
            pl.BlockSpec((_MB, D), lambda i: (i, 0)),
            pl.BlockSpec((D, D), lambda i: (0, 0)),
            pl.BlockSpec((D, D), lambda i: (0, 0)),
            pl.BlockSpec((D, D), lambda i: (0, 0)),
        ],
        out_specs=pl.BlockSpec((_MB, 3 * D), lambda i: (i, 0)),
        out_shape=jax.ShapeDtypeStruct((S, 3 * D), jnp.float32),
    )(x, wq, wk, wv)


def _scores_body(q_ref, k_ref, o_ref, *, TM):
    qi = pl.program_id(1)
    kj = pl.program_id(2)
    rows = qi * TM + lax.broadcasted_iota(jnp.int32, (TM, TM), 0)
    cols = kj * TM + lax.broadcasted_iota(jnp.int32, (TM, TM), 1)
    neg = jnp.full((TM, TM), _NEG, jnp.float32)

    for sub in range(2):
        lo, hi = sub * _HD, (sub + 1) * _HD

        @pl.when(kj <= qi)
        def _():
            qb = _bf(q_ref[...][:, lo:hi])
            kb = _bf(k_ref[...][:, lo:hi])
            s = lax.dot_general(qb, kb, (((1,), (1,)), ((), ())),
                                preferred_element_type=jnp.float32)
            s = s / np.float32(np.sqrt(_HD))
            o_ref[sub, :, :] = jnp.where(rows >= cols, s, neg)

        @pl.when(kj > qi)
        def _():
            o_ref[sub, :, :] = neg


def _scores_call(qkv, TM, H):
    S = qkv.shape[0]
    HP = H // 2
    return _pallas_call(
        functools.partial(_scores_body, TM=TM),
        grid=(HP, S // TM, S // TM),
        in_specs=[
            pl.BlockSpec((TM, 2 * _HD), lambda h, qi, kj: (qi, h)),
            pl.BlockSpec((TM, 2 * _HD), lambda h, qi, kj: (kj, HP + h)),
        ],
        out_specs=pl.BlockSpec((2, TM, TM), lambda h, qi, kj: (h, qi, kj)),
        out_shape=jax.ShapeDtypeStruct((H, S, S), jnp.float32),
    )(qkv, qkv)


def _wo_body(a_ref, w_ref, h_ref, o_ref):
    o = jnp.dot(_bf(a_ref[...]), _bf(w_ref[...]), preferred_element_type=jnp.float32)
    o_ref[...] = h_ref[...] + o


def _wo_call(attn, wo, hidden):
    S, D = hidden.shape
    return _pallas_call(
        _wo_body,
        grid=(S // _MB,),
        in_specs=[
            pl.BlockSpec((_MB, D), lambda i: (i, 0)),
            pl.BlockSpec((D, D), lambda i: (0, 0)),
            pl.BlockSpec((_MB, D), lambda i: (i, 0)),
        ],
        out_specs=pl.BlockSpec((_MB, D), lambda i: (i, 0)),
        out_shape=jax.ShapeDtypeStruct((S, D), jnp.float32),
    )(attn, wo, hidden)


def _ffn_up_body(x_ref, wg_ref, wu_ref, o_ref):
    xb = _bf(x_ref[...])
    g = jnp.dot(xb, _bf(wg_ref[...]), preferred_element_type=jnp.float32)
    u = jnp.dot(xb, _bf(wu_ref[...]), preferred_element_type=jnp.float32)
    o_ref[...] = g * jax.nn.sigmoid(g) * u


def _ffn_up_call(x2, wg, wu):
    S, D = x2.shape
    FF = wg.shape[1]
    return _pallas_call(
        _ffn_up_body,
        grid=(S // _MB,),
        in_specs=[
            pl.BlockSpec((_MB, D), lambda i: (i, 0)),
            pl.BlockSpec((D, FF), lambda i: (0, 0)),
            pl.BlockSpec((D, FF), lambda i: (0, 0)),
        ],
        out_specs=pl.BlockSpec((_MB, FF), lambda i: (i, 0)),
        out_shape=jax.ShapeDtypeStruct((S, FF), jnp.float32),
    )(x2, wg, wu)


def _router_body(rl_ref, act_ref, skip_ref, mask_ref, skipo_ref, aux_ref, *, KCAP):
    rl = rl_ref[...]
    act = act_ref[...]
    masked = jnp.where(act > 0, rl, jnp.float32(_NEG))
    b = lax.bitcast_convert_type(masked, jnp.uint32)
    flip = jnp.where(b >= jnp.uint32(0x80000000),
                     jnp.uint32(0xFFFFFFFF), jnp.uint32(0x80000000))
    key = b ^ flip

    def body(i, T):
        bit = jnp.uint32(0x80000000) >> i.astype(jnp.uint32)
        cand = T | bit
        cnt = jnp.sum((key >= cand).astype(jnp.int32))
        return jnp.where(cnt >= KCAP, cand, T)

    T = lax.fori_loop(0, 32, body, jnp.uint32(0))
    mask = (key >= T) & (act > 0)
    mask_ref[...] = mask.astype(jnp.int32)
    skipo_ref[...] = skip_ref[...] + jnp.where(mask, 0, act)
    sig = 1.0 / (1.0 + jnp.exp(-rl))
    m = jnp.sum(sig) / np.float32(rl.size)
    aux_ref[...] = jnp.full((1, 1), (m - np.float32(_CAP)) ** 2, jnp.float32)


def _router_call(rl, act, skip, KCAP):
    shp = rl.shape
    return _pallas_call(
        functools.partial(_router_body, KCAP=KCAP),
        out_shape=[
            jax.ShapeDtypeStruct(shp, jnp.int32),
            jax.ShapeDtypeStruct(shp, jnp.int32),
            jax.ShapeDtypeStruct((1, 1), jnp.float32),
        ],
    )(rl, act, skip)


def _fnorm_body(h_ref, g_ref, o_ref):
    x = h_ref[...]
    r = lax.rsqrt(jnp.mean(x * x, axis=1, keepdims=True) + 1e-6)
    o_ref[...] = x * g_ref[...] * r


def _fnorm_call(hidden, g):
    S, D = hidden.shape
    return _pallas_call(
        _fnorm_body,
        grid=(S // _MB,),
        in_specs=[
            pl.BlockSpec((_MB, D), lambda i: (i, 0)),
            pl.BlockSpec((1, D), lambda i: (0, 0)),
        ],
        out_specs=pl.BlockSpec((_MB, D), lambda i: (i, 0)),
        out_shape=jax.ShapeDtypeStruct((S, D), jnp.float32),
    )(hidden, g)


def _head_body(h_ref, w_ref, o_ref):
    o_ref[...] = jnp.dot(_bf(h_ref[...]), _bf(w_ref[...]),
                         preferred_element_type=jnp.float32)


def _head_call(hf, lm_head, TM):
    S, D = hf.shape
    V = lm_head.shape[1]
    VB = min(2048, V)
    return _pallas_call(
        _head_body,
        grid=(V // VB, S // TM),
        in_specs=[
            pl.BlockSpec((TM, D), lambda v, t: (t, 0)),
            pl.BlockSpec((D, VB), lambda v, t: (0, v)),
        ],
        out_specs=pl.BlockSpec((TM, VB), lambda v, t: (t, v)),
        out_shape=jax.ShapeDtypeStruct((S, V), jnp.float32),
    )(hf, lm_head)


def _rms(x, g):
    return x * g * lax.rsqrt(jnp.mean(x * x, axis=-1, keepdims=True) + 1e-6)


def kernel(input_ids, embed, Wq, Wk, Wv, Wo, ln1_g, ln2_g, Wg, Wu, Wd,
           router_w, router_b, exit_w, exit_b, final_g, lm_head):
    B, S = input_ids.shape
    D = embed.shape[1]
    L = Wq.shape[0]
    H = D // _HD
    V = lm_head.shape[1]
    TM = min(256, S)
    KCAP = int(_CAP * S)

    hidden0 = embed[input_ids].reshape(S, D)

    exits = jnp.array(_EXITS, dtype=jnp.int32)
    ew_full = jnp.zeros((L, D), jnp.float32).at[exits].set(exit_w)
    eb_full = jnp.zeros((L,), jnp.float32).at[exits].set(exit_b)
    isex = jnp.zeros((L,), jnp.bool_).at[exits].set(True)
    lidx = jnp.arange(L, dtype=jnp.int32)

    causal = jnp.tril(jnp.ones((S, S), jnp.bool_))[None, None]
    hidden = hidden0.reshape(1, S, D)
    active = jnp.ones((B, S), jnp.bool_)
    exit_layer = jnp.full((B, S), -1, jnp.int32)
    skip = jnp.zeros((B, S), jnp.int32)
    aux = jnp.float32(0.0)

    for l in range(L):
        if l in _EXITS:
            i = _EXITS.index(l)
            p_exit = jax.nn.sigmoid(hidden @ exit_w[i] + exit_b[i])
            em = (p_exit > 0.5) & active
            exit_layer = jnp.where(em, l, exit_layer)
            active = active & jnp.logical_not(em)
        x = _rms(hidden, ln1_g[l])
        q = (x @ Wq[l]).reshape(B, S, H, _HD).transpose(0, 2, 1, 3)
        k = (x @ Wk[l]).reshape(B, S, H, _HD).transpose(0, 2, 1, 3)
        v = (x @ Wv[l]).reshape(B, S, H, _HD).transpose(0, 2, 1, 3)
        sc = (q @ k.transpose(0, 1, 3, 2)) / np.sqrt(_HD).astype(np.float32)
        sc = jnp.where(causal, sc, -1e9)
        probs = jax.nn.softmax(sc, axis=-1)
        o = (probs @ v).transpose(0, 2, 1, 3).reshape(B, S, D)
        hidden = hidden + o @ Wo[l]
        rl = hidden @ router_w[l] + router_b[l]
        rl_b, act_b, skip_b = lax.optimization_barrier(
            (rl.reshape(S // 128, 128),
             active.astype(jnp.int32).reshape(S // 128, 128),
             skip.reshape(S // 128, 128)))
        mask_i, skip2, auxp = lax.optimization_barrier(
            _router_call(rl_b, act_b, skip_b, KCAP))
        aux = aux + auxp[0, 0]
        skip = skip2.reshape(B, S)
        ffn_mask = mask_i.reshape(B, S).astype(jnp.bool_)
        x2 = _rms(hidden, ln2_g[l])
        ffn = (jax.nn.silu(x2 @ Wg[l]) * (x2 @ Wu[l])) @ Wd[l]
        hidden = hidden + jnp.where(ffn_mask[..., None], ffn, 0.0)

    hidden = hidden.reshape(S, D)
    hf = _rms(hidden.reshape(1, S, D), final_g).reshape(S, D)
    logits = hf.reshape(1, S, D) @ lm_head
    return (logits.reshape(B, S, V), hf.reshape(B, S, D),
            active.reshape(B, S), exit_layer.reshape(B, S),
            skip.reshape(B, S), aux)

# --- scband reference (transcript-rebuilt; emitter-appended) ---
"""Pipeline reference for scband-hierarchical-transformer-wrapper-1331439862152 (READ-ONLY COPY).

The authoritative reference and input builder live on the scoring server;
editing this copy changes nothing except your own understanding.
"""

import jax, jax.numpy as jnp
import numpy as np

B, S = 1, 2048
D, H, HD = 768, 12, 64
FF = 2048
L = 20
V = 16384
EXIT_LAYERS = [5, 10, 15, 18]
CAPACITY = 0.7


def setup_inputs(seed: int = 0):
    key = jax.random.key(seed)
    ks = jax.random.split(key, 16)
    s = 0.02
    return {
        "input_ids": jax.random.randint(ks[0], (B, S), 0, V),
        "embed": jax.random.normal(ks[1], (V, D), jnp.float32) * s,
        "Wq": jax.random.normal(ks[2], (L, D, D), jnp.float32) * s,
        "Wk": jax.random.normal(ks[3], (L, D, D), jnp.float32) * s,
        "Wv": jax.random.normal(ks[4], (L, D, D), jnp.float32) * s,
        "Wo": jax.random.normal(ks[5], (L, D, D), jnp.float32) * s,
        "ln1_g": jnp.ones((L, D), jnp.float32),
        "ln2_g": jnp.ones((L, D), jnp.float32),
        "Wg": jax.random.normal(ks[6], (L, D, FF), jnp.float32) * s,
        "Wu": jax.random.normal(ks[7], (L, D, FF), jnp.float32) * s,
        "Wd": jax.random.normal(ks[8], (L, FF, D), jnp.float32) * s,
        "router_w": jax.random.normal(ks[9], (L, D), jnp.float32) * s,
        "router_b": jnp.zeros((L,), jnp.float32),
        "exit_w": jax.random.normal(ks[10], (len(EXIT_LAYERS), D), jnp.float32) * s,
        "exit_b": jnp.zeros((len(EXIT_LAYERS),), jnp.float32),
        "final_g": jnp.ones((D,), jnp.float32),
        "lm_head": jax.random.normal(ks[11], (D, V), jnp.float32) * s,
    }


def _rmsnorm(x, g):
    return x * g * jax.lax.rsqrt(jnp.mean(x * x, axis=-1, keepdims=True) + 1e-6)


def _attn(x, wq, wk, wv, wo, causal):
    q = (x @ wq).reshape(B, S, H, HD).transpose(0, 2, 1, 3)
    k = (x @ wk).reshape(B, S, H, HD).transpose(0, 2, 1, 3)
    v = (x @ wv).reshape(B, S, H, HD).transpose(0, 2, 1, 3)
    scores = (q @ k.transpose(0, 1, 3, 2)) / np.sqrt(HD).astype(np.float32)
    scores = jnp.where(causal, scores, -1e9)
    p = jax.nn.softmax(scores, axis=-1)
    o = (p @ v).transpose(0, 2, 1, 3).reshape(B, S, D)
    return o @ wo


def reference(input_ids, embed, Wq, Wk, Wv, Wo, ln1_g, ln2_g, Wg, Wu, Wd, router_w, router_b, exit_w, exit_b, final_g, lm_head):
    hidden = embed[input_ids]
    active = jnp.ones((B, S), bool)
    exit_layer = jnp.full((B, S), -1, jnp.int32)
    skip_count = jnp.zeros((B, S), jnp.int32)
    aux = jnp.float32(0.0)
    K = int(CAPACITY * S)
    causal = jnp.tril(jnp.ones((S, S), bool))[None, None]
    for l in range(L):
        if l in EXIT_LAYERS:
            i = EXIT_LAYERS.index(l)
            p_exit = jax.nn.sigmoid(hidden @ exit_w[i] + exit_b[i])
            em = (p_exit > 0.5) & active
            exit_layer = jnp.where(em, l, exit_layer)
            active = active & jnp.logical_not(em)
        x = _rmsnorm(hidden, ln1_g[l])
        hidden = hidden + _attn(x, Wq[l], Wk[l], Wv[l], Wo[l], causal)
        rlogits = hidden @ router_w[l] + router_b[l]
        masked = jnp.where(active, rlogits, -1e9)
        thr = jax.lax.top_k(masked, K)[0][:, -1:]
        ffn_mask = (masked >= thr) & active
        aux = aux + (jnp.mean(jax.nn.sigmoid(rlogits)) - CAPACITY) ** 2
        skip_count = skip_count + (jnp.logical_not(ffn_mask) & active).astype(jnp.int32)
        x2 = _rmsnorm(hidden, ln2_g[l])
        ffn = (jax.nn.silu(x2 @ Wg[l]) * (x2 @ Wu[l])) @ Wd[l]
        hidden = hidden + jnp.where(ffn_mask[..., None], ffn, 0.0)
    hidden = _rmsnorm(hidden, final_g)
    logits = hidden @ lm_head
    return (logits, hidden, active, exit_layer, skip_count, aux)

if __name__ == "__main__":
    import jax
    _d = setup_inputs()
    print(jax.jit(kernel)(*tuple(_d.values())))

</pallas_src>

<mosaic_0001>
module {
  func.func @main(%arg0: i32, %arg1: i32, %arg2: i32, %arg3: memref<1x1024x1024xf32, #tpu.memory_space<vmem>>, %arg4: memref<1x1024x64xf32, #tpu.memory_space<vmem>>, %arg5: memref<1x1024x64xf32, #tpu.memory_space<vmem>>, %arg6: memref<1x1024x1xf32, #tpu.memory_space<vmem>>, %arg7: memref<1x1024x1xf32, #tpu.memory_space<vmem>>) attributes {dimension_semantics = [#tpu.dimension_semantics<parallel>, #tpu.dimension_semantics<parallel>, #tpu.dimension_semantics<arbitrary>], iteration_bounds = array<i64: 12, 2, 2>, scratch_operands = 2 : i64, window_params = [{transform_indices = @qk_fn, window_bounds = array<i64: 1, 1024, 1024>}, {transform_indices = @v_fn, window_bounds = array<i64: 1, 1024, 64>}, {transform_indices = @oi_fn, window_bounds = array<i64: 1, 1024, 64>}]} {
    %c0 = arith.constant 0 : index
    %c0_i32 = arith.constant 0 : i32
    %0 = arith.cmpi eq, %c0_i32, %arg2 : i32
    scf.if %0 {
      %cst_3 = arith.constant dense<0.000000e+00> : vector<1x1024x64xf32>
      vector.store %cst_3, %arg5[%c0, %c0, %c0] : memref<1x1024x64xf32, #tpu.memory_space<vmem>>, vector<1x1024x64xf32>
      %cst_4 = arith.constant dense<0xFF800000> : vector<1x1024x1xf32>
      vector.store %cst_4, %arg6[%c0, %c0, %c0] : memref<1x1024x1xf32, #tpu.memory_space<vmem>>, vector<1x1024x1xf32>
      %cst_5 = arith.constant dense<0.000000e+00> : vector<1x1024x1xf32>
      vector.store %cst_5, %arg7[%c0, %c0, %c0] : memref<1x1024x1xf32, #tpu.memory_space<vmem>>, vector<1x1024x1xf32>
    }
    %1 = vector.load %arg3[%c0, %c0, %c0] : memref<1x1024x1024xf32, #tpu.memory_space<vmem>>, vector<1x1024x1024xf32>
    %cst = arith.constant dense<0xFF800000> : vector<1x1024xf32>
    %2 = vector.multi_reduction <maximumf>, %1, %cst [2] : vector<1x1024x1024xf32> to vector<1x1024xf32>
    %3 = vector.shape_cast %2 : vector<1x1024xf32> to vector<1x1024x1xf32>
    %4 = vector.load %arg6[%c0, %c0, %c0] : memref<1x1024x1xf32, #tpu.memory_space<vmem>>, vector<1x1024x1xf32>
    %5 = arith.maximumf %4, %3 : vector<1x1024x1xf32>
    %cst_0 = arith.constant dense<0.000000e+00> : vector<1x1024x1xf32>
    %6 = arith.cmpf oeq, %4, %5 : vector<1x1024x1xf32>
    %7 = arith.subf %4, %5 : vector<1x1024x1xf32>
    %8 = arith.select %6, %cst_0, %7 : vector<1x1024x1xi1>, vector<1x1024x1xf32>
    %9 = vector.broadcast %5 : vector<1x1024x1xf32> to vector<1x1024x1024xf32>
    %10 = arith.subf %1, %9 : vector<1x1024x1024xf32>
    %11 = math.exp %10 : vector<1x1024x1024xf32>
    %cst_1 = arith.constant dense<0.000000e+00> : vector<1x1024xf32>
    %12 = vector.multi_reduction <add>, %11, %cst_1 [2] : vector<1x1024x1024xf32> to vector<1x1024xf32>
    %13 = vector.shape_cast %12 : vector<1x1024xf32> to vector<1x1024x1xf32>
    %14 = vector.load %arg7[%c0, %c0, %c0] : memref<1x1024x1xf32, #tpu.memory_space<vmem>>, vector<1x1024x1xf32>
    %15 = math.exp %8 : vector<1x1024x1xf32>
    %16 = arith.mulf %15, %14 : vector<1x1024x1xf32>
    %17 = arith.addf %16, %13 : vector<1x1024x1xf32>
    %18 = vector.load %arg5[%c0, %c0, %c0] : memref<1x1024x64xf32, #tpu.memory_space<vmem>>, vector<1x1024x64xf32>
    %19 = math.exp %8 : vector<1x1024x1xf32>
    %20 = arith.mulf %19, %14 : vector<1x1024x1xf32>
    %21 = vector.broadcast %20 : vector<1x1024x1xf32> to vector<1x1024x64xf32>
    %22 = arith.mulf %21, %18 : vector<1x1024x64xf32>
    %23 = vector.load %arg4[%c0, %c0, %c0] : memref<1x1024x64xf32, #tpu.memory_space<vmem>>, vector<1x1024x64xf32>
    %24 = vector.shape_cast %23 : vector<1x1024x64xf32> to vector<1024x64xf32>
    %25 = vector.shape_cast %11 : vector<1x1024x1024xf32> to vector<1024x1024xf32>
    %26 = vector.shape_cast %22 : vector<1x1024x64xf32> to vector<1024x64xf32>
    %27 = tpu.matmul %25, %24, %26 {dimension_numbers = #tpu.dot_dimension_numbers<[1], [0], [0], [1], [0, 0, 1, 1], [], []>, precision = #tpu.contract_precision<bf16>, transpose_lhs_hint = false} : vector<1024x1024xf32>, vector<1024x64xf32>, vector<1024x64xf32> -> vector<1024x64xf32>
    %28 = vector.shape_cast %27 : vector<1024x64xf32> to vector<1x1024x64xf32>
    %cst_2 = arith.constant dense<1.000000e+00> : vector<1x1024x1xf32>
    %29 = arith.divf %cst_2, %17 : vector<1x1024x1xf32>
    %30 = vector.broadcast %29 : vector<1x1024x1xf32> to vector<1x1024x64xf32>
    %31 = arith.mulf %28, %30 : vector<1x1024x64xf32>
    %32 = vector.shape_cast %31 : vector<1x1024x64xf32> to vector<1x1024x64xf32>
    vector.store %32, %arg5[%c0, %c0, %c0] : memref<1x1024x64xf32, #tpu.memory_space<vmem>>, vector<1x1024x64xf32>
    vector.store %5, %arg6[%c0, %c0, %c0] : memref<1x1024x1xf32, #tpu.memory_space<vmem>>, vector<1x1024x1xf32>
    vector.store %17, %arg7[%c0, %c0, %c0] : memref<1x1024x1xf32, #tpu.memory_space<vmem>>, vector<1x1024x1xf32>
    return
  }
  func.func @qk_fn(%arg0: i32, %arg1: i32, %arg2: i32) -> (i32, i32, i32) {
    return %arg0, %arg1, %arg2 : i32, i32, i32
  }
  func.func @v_fn(%arg0: i32, %arg1: i32, %arg2: i32) -> (i32, i32, i32) {
    %c0_i32 = arith.constant 0 : i32
    return %arg0, %arg2, %c0_i32 : i32, i32, i32
  }
  func.func @oi_fn(%arg0: i32, %arg1: i32, %arg2: i32) -> (i32, i32, i32) {
    %c0_i32 = arith.constant 0 : i32
    return %arg0, %arg1, %c0_i32 : i32, i32, i32
  }
}

module attributes {stable_mosaic.version = 14 : i64} {
  func.func @_router_body(%arg0: memref<16x128xf32, #tpu.memory_space<vmem>>, %arg1: memref<16x128xi32, #tpu.memory_space<vmem>>, %arg2: memref<16x128xi32, #tpu.memory_space<vmem>>, %arg3: memref<16x128xi32, #tpu.memory_space<vmem>>, %arg4: memref<16x128xi32, #tpu.memory_space<vmem>>, %arg5: memref<1x1xf32, #tpu.memory_space<vmem>>) attributes {dimension_semantics = [], scalar_prefetch = 0 : i64, scratch_operands = 0 : i64, tpu.core_type = #tpu.core_type<tc>} {
    %get3A = arith.constant 0 : index
    %get3A_0 = arith.constant 0 : index
    %get3A_1 = vector.load %arg0[%get3A, %get3A_0] : memref<16x128xf32, #tpu.memory_space<vmem>>, vector<16x128xf32>
    %get3A_2 = arith.constant 0 : index
    %get3A_3 = arith.constant 0 : index
    %get3A_4 = vector.load %arg1[%get3A_2, %get3A_3] : memref<16x128xi32, #tpu.memory_space<vmem>>, vector<16x128xi32>
    %gt3A = arith.constant 0 : i32
    %gt3A_5 = vector.broadcast %gt3A : i32 to vector<16x128xi32>
    %gt3A_6 = arith.cmpi sgt, %get3A_4, %gt3A_5 : vector<16x128xi32>
    %jit3A = arith.constant -1.000000e+09 : f32
    %broadcast_in_dim3A = vector.broadcast %jit3A : f32 to vector<16x128xf32>
    %select_n3A = arith.select %gt3A_6, %get3A_1, %broadcast_in_dim3A : vector<16x128xi1>, vector<16x128xf32>
    %bitcast_convert_type3A = tpu.bitcast %select_n3A : vector<16x128xf32> -> vector<16x128xi32>
    %ge3A = arith.constant -2147483648 : i32
    %ge3A_7 = vector.broadcast %ge3A : i32 to vector<16x128xi32>
    %ge3A_8 = arith.cmpi uge, %bitcast_convert_type3A, %ge3A_7 : vector<16x128xi32>
    %jit3A_9 = arith.constant -1 : i32
    %jit3A_10 = arith.constant -2147483648 : i32
    %broadcast_in_dim3A_11 = vector.broadcast %jit3A_9 : i32 to vector<16x128xi32>
    %broadcast_in_dim3A_12 = vector.broadcast %jit3A_10 : i32 to vector<16x128xi32>
    %select_n3A_13 = arith.select %ge3A_8, %broadcast_in_dim3A_11, %broadcast_in_dim3A_12 : vector<16x128xi1>, vector<16x128xi32>
    %xor3A = arith.xori %bitcast_convert_type3A, %select_n3A_13 : vector<16x128xi32>
    %scan3A = arith.constant 0 : i32
    %scan3A_14 = arith.constant 0 : i32
    %scan3A_15 = arith.constant 32 : i32
    %scan3A_16 = arith.addi %scan3A_14, %scan3A_15 : i32
    %scan3A_17 = arith.constant 1 : i32
    %scan3A_18 = scf.for %scan3A_54 = %scan3A_14 to %scan3A_16 step %scan3A_17 iter_args(%scan3A_55 = %scan3A) -> (i32)  : i32 {
      %shift_right_logical3A = arith.constant -2147483648 : i32
      %shift_right_logical3A_56 = arith.shrui %shift_right_logical3A, %scan3A_54 : i32
      %or3A = arith.ori %scan3A_55, %shift_right_logical3A_56 : i32
      %ge3A_57 = vector.broadcast %or3A : i32 to vector<16x128xi32>
      %ge3A_58 = arith.cmpi uge, %xor3A, %ge3A_57 : vector<16x128xi32>
      %convert_element_type3A_59 = arith.extui %ge3A_58 : vector<16x128xi1> to vector<16x128xi32>
      %reduce_sum3A_60 = vector.shape_cast %convert_element_type3A_59 : vector<16x128xi32> to vector<1x16x128xi32>
      %reduce_sum3A_61 = arith.constant dense<0> : vector<1xi32>
      %reduce_sum3A_62 = vector.multi_reduction <add>, %reduce_sum3A_60, %reduce_sum3A_61 [1, 2] : vector<1x16x128xi32> to vector<1xi32>
      %reduce_sum3A_63 = vector.shape_cast %reduce_sum3A_62 : vector<1xi32> to vector<1x1x1xi32>
      %reduce_sum3A_64 = vector.extract %reduce_sum3A_63[0, 0, 0] : i32 from vector<1x1x1xi32>
      %ge3A_65 = arith.constant 1433 : i32
      %ge3A_66 = arith.cmpi sge, %reduce_sum3A_64, %ge3A_65 : i32
      %select_n3A_67 = arith.select %ge3A_66, %or3A, %scan3A_55 : i32
      scf.yield %select_n3A_67 : i32
    }
    %scan3A_19 = arith.constant 32 : i32
    %ge3A_20 = vector.broadcast %scan3A_18 : i32 to vector<16x128xi32>
    %ge3A_21 = arith.cmpi uge, %xor3A, %ge3A_20 : vector<16x128xi32>
    %gt3A_22 = arith.constant 0 : i32
    %gt3A_23 = vector.broadcast %gt3A_22 : i32 to vector<16x128xi32>
    %gt3A_24 = arith.cmpi sgt, %get3A_4, %gt3A_23 : vector<16x128xi32>
    %and3A = arith.andi %ge3A_21, %gt3A_24 : vector<16x128xi1>
    %convert_element_type3A = arith.extui %and3A : vector<16x128xi1> to vector<16x128xi32>
    %swap3A = arith.constant 0 : index
    %swap3A_25 = arith.constant 0 : index
    %swap3A_26 = vector.load %arg3[%swap3A, %swap3A_25] : memref<16x128xi32, #tpu.memory_space<vmem>>, vector<16x128xi32>
    tpu.vector_store %arg3[%swap3A, %swap3A_25], %convert_element_type3A {strides = array<i32>} : memref<16x128xi32, #tpu.memory_space<vmem>>, vector<16x128xi32>,
    %get3A_27 = arith.constant 0 : index
    %get3A_28 = arith.constant 0 : index
    %get3A_29 = vector.load %arg2[%get3A_27, %get3A_28] : memref<16x128xi32, #tpu.memory_space<vmem>>, vector<16x128xi32>
    %jit3A_30 = arith.constant 0 : i32
    %broadcast_in_dim3A_31 = vector.broadcast %jit3A_30 : i32 to vector<16x128xi32>
    %select_n3A_32 = arith.select %and3A, %broadcast_in_dim3A_31, %get3A_4 : vector<16x128xi1>, vector<16x128xi32>
    %add3A = arith.addi %get3A_29, %select_n3A_32 : vector<16x128xi32>
    %swap3A_33 = arith.constant 0 : index
    %swap3A_34 = arith.constant 0 : index
    %swap3A_35 = vector.load %arg4[%swap3A_33, %swap3A_34] : memref<16x128xi32, #tpu.memory_space<vmem>>, vector<16x128xi32>
    tpu.vector_store %arg4[%swap3A_33, %swap3A_34], %add3A {strides = array<i32>} : memref<16x128xi32, #tpu.memory_space<vmem>>, vector<16x128xi32>,
    %neg3A = arith.constant 0.000000e+00 : f32
    %neg3A_36 = vector.broadcast %neg3A : f32 to vector<16x128xf32>
    %neg3A_37 = arith.subf %neg3A_36, %get3A_1 : vector<16x128xf32>
    %exp3A = math.exp %neg3A_37 : vector<16x128xf32>
    %add3A_38 = arith.constant 1.000000e+00 : f32
    %add3A_39 = vector.broadcast %add3A_38 : f32 to vector<16x128xf32>
    %add3A_40 = arith.addf %add3A_39, %exp3A : vector<16x128xf32>
    %div3A = arith.constant 1.000000e+00 : f32
    %div3A_41 = vector.broadcast %div3A : f32 to vector<16x128xf32>
    %div3A_42 = arith.divf %div3A_41, %add3A_40 : vector<16x128xf32>
    %reduce_sum3A = vector.shape_cast %div3A_42 : vector<16x128xf32> to vector<1x16x128xf32>
    %reduce_sum3A_43 = arith.constant dense<0.000000e+00> : vector<1xf32>
    %reduce_sum3A_44 = vector.multi_reduction <add>, %reduce_sum3A, %reduce_sum3A_43 [1, 2] : vector<1x16x128xf32> to vector<1xf32>
    %reduce_sum3A_45 = vector.shape_cast %reduce_sum3A_44 : vector<1xf32> to vector<1x1x1xf32>
    %reduce_sum3A_46 = vector.extract %reduce_sum3A_45[0, 0, 0] : f32 from vector<1x1x1xf32>
    %div3A_47 = arith.constant 2.048000e+03 : f32
    %div3A_48 = arith.divf %reduce_sum3A_46, %div3A_47 : f32
    %sub3A = arith.constant 0.699999988 : f32
    %sub3A_49 = arith.subf %div3A_48, %sub3A : f32
    %integer_pow3A = arith.mulf %sub3A_49, %sub3A_49 : f32
    %broadcast_in_dim3A_50 = vector.broadcast %integer_pow3A : f32 to vector<1x1xf32>
    %swap3A_51 = arith.constant 0 : index
    %swap3A_52 = arith.constant 0 : index
    %swap3A_53 = vector.load %arg5[%swap3A_51, %swap3A_52] : memref<1x1xf32, #tpu.memory_space<vmem>>, vector<1x1xf32>
    tpu.vector_store %arg5[%swap3A_51, %swap3A_52], %broadcast_in_dim3A_50 {strides = array<i32>} : memref<1x1xf32, #tpu.memory_space<vmem>>, vector<1x1xf32>,
    return
  }
}

module attributes {stable_mosaic.version = 14 : i64} {
  func.func @_router_body(%arg0: memref<16x128xf32, #tpu.memory_space<vmem>>, %arg1: memref<16x128xi32, #tpu.memory_space<vmem>>, %arg2: memref<16x128xi32, #tpu.memory_space<vmem>>, %arg3: memref<16x128xi32, #tpu.memory_space<vmem>>, %arg4: memref<16x128xi32, #tpu.memory_space<vmem>>, %arg5: memref<1x1xf32, #tpu.memory_space<vmem>>) attributes {dimension_semantics = [], scalar_prefetch = 0 : i64, scratch_operands = 0 : i64, tpu.core_type = #tpu.core_type<tc>} {
    %get3A = arith.constant 0 : index
    %get3A_0 = arith.constant 0 : index
    %get3A_1 = vector.load %arg0[%get3A, %get3A_0] : memref<16x128xf32, #tpu.memory_space<vmem>>, vector<16x128xf32>
    %get3A_2 = arith.constant 0 : index
    %get3A_3 = arith.constant 0 : index
    %get3A_4 = vector.load %arg1[%get3A_2, %get3A_3] : memref<16x128xi32, #tpu.memory_space<vmem>>, vector<16x128xi32>
    %gt3A = arith.constant 0 : i32
    %gt3A_5 = vector.broadcast %gt3A : i32 to vector<16x128xi32>
    %gt3A_6 = arith.cmpi sgt, %get3A_4, %gt3A_5 : vector<16x128xi32>
    %jit3A = arith.constant -1.000000e+09 : f32
    %broadcast_in_dim3A = vector.broadcast %jit3A : f32 to vector<16x128xf32>
    %select_n3A = arith.select %gt3A_6, %get3A_1, %broadcast_in_dim3A : vector<16x128xi1>, vector<16x128xf32>
    %bitcast_convert_type3A = tpu.bitcast %select_n3A : vector<16x128xf32> -> vector<16x128xi32>
    %ge3A = arith.constant -2147483648 : i32
    %ge3A_7 = vector.broadcast %ge3A : i32 to vector<16x128xi32>
    %ge3A_8 = arith.cmpi uge, %bitcast_convert_type3A, %ge3A_7 : vector<16x128xi32>
    %jit3A_9 = arith.constant -1 : i32
    %jit3A_10 = arith.constant -2147483648 : i32
    %broadcast_in_dim3A_11 = vector.broadcast %jit3A_9 : i32 to vector<16x128xi32>
    %broadcast_in_dim3A_12 = vector.broadcast %jit3A_10 : i32 to vector<16x128xi32>
    %select_n3A_13 = arith.select %ge3A_8, %broadcast_in_dim3A_11, %broadcast_in_dim3A_12 : vector<16x128xi1>, vector<16x128xi32>
    %xor3A = arith.xori %bitcast_convert_type3A, %select_n3A_13 : vector<16x128xi32>
    %scan3A = arith.constant 0 : i32
    %scan3A_14 = arith.constant 0 : i32
    %scan3A_15 = arith.constant 32 : i32
    %scan3A_16 = arith.addi %scan3A_14, %scan3A_15 : i32
    %scan3A_17 = arith.constant 1 : i32
    %scan3A_18 = scf.for %scan3A_54 = %scan3A_14 to %scan3A_16 step %scan3A_17 iter_args(%scan3A_55 = %scan3A) -> (i32)  : i32 {
      %shift_right_logical3A = arith.constant -2147483648 : i32
      %shift_right_logical3A_56 = arith.shrui %shift_right_logical3A, %scan3A_54 : i32
      %or3A = arith.ori %scan3A_55, %shift_right_logical3A_56 : i32
      %ge3A_57 = vector.broadcast %or3A : i32 to vector<16x128xi32>
      %ge3A_58 = arith.cmpi uge, %xor3A, %ge3A_57 : vector<16x128xi32>
      %convert_element_type3A_59 = arith.extui %ge3A_58 : vector<16x128xi1> to vector<16x128xi32>
      %reduce_sum3A_60 = vector.shape_cast %convert_element_type3A_59 : vector<16x128xi32> to vector<1x16x128xi32>
      %reduce_sum3A_61 = arith.constant dense<0> : vector<1xi32>
      %reduce_sum3A_62 = vector.multi_reduction <add>, %reduce_sum3A_60, %reduce_sum3A_61 [1, 2] : vector<1x16x128xi32> to vector<1xi32>
      %reduce_sum3A_63 = vector.shape_cast %reduce_sum3A_62 : vector<1xi32> to vector<1x1x1xi32>
      %reduce_sum3A_64 = vector.extract %reduce_sum3A_63[0, 0, 0] : i32 from vector<1x1x1xi32>
      %ge3A_65 = arith.constant 1433 : i32
      %ge3A_66 = arith.cmpi sge, %reduce_sum3A_64, %ge3A_65 : i32
      %select_n3A_67 = arith.select %ge3A_66, %or3A, %scan3A_55 : i32
      scf.yield %select_n3A_67 : i32
    }
    %scan3A_19 = arith.constant 32 : i32
    %ge3A_20 = vector.broadcast %scan3A_18 : i32 to vector<16x128xi32>
    %ge3A_21 = arith.cmpi uge, %xor3A, %ge3A_20 : vector<16x128xi32>
    %gt3A_22 = arith.constant 0 : i32
    %gt3A_23 = vector.broadcast %gt3A_22 : i32 to vector<16x128xi32>
    %gt3A_24 = arith.cmpi sgt, %get3A_4, %gt3A_23 : vector<16x128xi32>
    %and3A = arith.andi %ge3A_21, %gt3A_24 : vector<16x128xi1>
    %convert_element_type3A = arith.extui %and3A : vector<16x128xi1> to vector<16x128xi32>
    %swap3A = arith.constant 0 : index
    %swap3A_25 = arith.constant 0 : index
    %swap3A_26 = vector.load %arg3[%swap3A, %swap3A_25] : memref<16x128xi32, #tpu.memory_space<vmem>>, vector<16x128xi32>
    tpu.vector_store %arg3[%swap3A, %swap3A_25], %convert_element_type3A {strides = array<i32>} : memref<16x128xi32, #tpu.memory_space<vmem>>, vector<16x128xi32>,
    %get3A_27 = arith.constant 0 : index
    %get3A_28 = arith.constant 0 : index
    %get3A_29 = vector.load %arg2[%get3A_27, %get3A_28] : memref<16x128xi32, #tpu.memory_space<vmem>>, vector<16x128xi32>
    %jit3A_30 = arith.constant 0 : i32
    %broadcast_in_dim3A_31 = vector.broadcast %jit3A_30 : i32 to vector<16x128xi32>
    %select_n3A_32 = arith.select %and3A, %broadcast_in_dim3A_31, %get3A_4 : vector<16x128xi1>, vector<16x128xi32>
    %add3A = arith.addi %get3A_29, %select_n3A_32 : vector<16x128xi32>
    %swap3A_33 = arith.constant 0 : index
    %swap3A_34 = arith.constant 0 : index
    %swap3A_35 = vector.load %arg4[%swap3A_33, %swap3A_34] : memref<16x128xi32, #tpu.memory_space<vmem>>, vector<16x128xi32>
    tpu.vector_store %arg4[%swap3A_33, %swap3A_34], %add3A {strides = array<i32>} : memref<16x128xi32, #tpu.memory_space<vmem>>, vector<16x128xi32>,
    %neg3A = arith.constant 0.000000e+00 : f32
    %neg3A_36 = vector.broadcast %neg3A : f32 to vector<16x128xf32>
    %neg3A_37 = arith.subf %neg3A_36, %get3A_1 : vector<16x128xf32>
    %exp3A = math.exp %neg3A_37 : vector<16x128xf32>
    %add3A_38 = arith.constant 1.000000e+00 : f32
    %add3A_39 = vector.broadcast %add3A_38 : f32 to vector<16x128xf32>
    %add3A_40 = arith.addf %add3A_39, %exp3A : vector<16x128xf32>
    %div3A = arith.constant 1.000000e+00 : f32
    %div3A_41 = vector.broadcast %div3A : f32 to vector<16x128xf32>
    %div3A_42 = arith.divf %div3A_41, %add3A_40 : vector<16x128xf32>
    %reduce_sum3A = vector.shape_cast %div3A_42 : vector<16x128xf32> to vector<1x16x128xf32>
    %reduce_sum3A_43 = arith.constant dense<0.000000e+00> : vector<1xf32>
    %reduce_sum3A_44 = vector.multi_reduction <add>, %reduce_sum3A, %reduce_sum3A_43 [1, 2] : vector<1x16x128xf32> to vector<1xf32>
    %reduce_sum3A_45 = vector.shape_cast %reduce_sum3A_44 : vector<1xf32> to vector<1x1x1xf32>
    %reduce_sum3A_46 = vector.extract %reduce_sum3A_45[0, 0, 0] : f32 from vector<1x1x1xf32>
    %div3A_47 = arith.constant 2.048000e+03 : f32
    %div3A_48 = arith.divf %reduce_sum3A_46, %div3A_47 : f32
    %sub3A = arith.constant 0.699999988 : f32
    %sub3A_49 = arith.subf %div3A_48, %sub3A : f32
    %integer_pow3A = arith.mulf %sub3A_49, %sub3A_49 : f32
    %broadcast_in_dim3A_50 = vector.broadcast %integer_pow3A : f32 to vector<1x1xf32>
    %swap3A_51 = arith.constant 0 : index
    %swap3A_52 = arith.constant 0 : index
    %swap3A_53 = vector.load %arg5[%swap3A_51, %swap3A_52] : memref<1x1xf32, #tpu.memory_space<vmem>>, vector<1x1xf32>
    tpu.vector_store %arg5[%swap3A_51, %swap3A_52], %broadcast_in_dim3A_50 {strides = array<i32>} : memref<1x1xf32, #tpu.memory_space<vmem>>, vector<1x1xf32>,
    return
  }
}

</mosaic_0001>

<sc_bundles>
// kernel: gather_offload_async_start
scs
__scs_entry_jumppad:
0x0: {  	(pc) =	sbr.rel $0x88, $3  }
0x1: {  	(tag) =	ssettag $0x0;
	lr =	simm.s32 $0x1  }
0x2: {  	[smem:$0x3F90] =	sst lr;
	_ =	strace $0xD0000000  }
0x3: {  	_ = 	snop  }
0x4: {  	_ = 	snop  }
0x5: {  	_ = 	snop  }
0x6: {  	_ = 	snop  }
0x7: {  	_ = 	snop  }
__scs_overlays_trampoline_lowered:
0x8: {  	[smem:$0x3F9F] =	sst s0  }
0x9: {  	[smem:$0x3FA0] =	sst s1  }
0xa: {  	[smem:$0x3FA1] =	sst s2  }
0xb: {  	[smem:$0x3FA2] =	sst s3  }
0xc: {  	[smem:$0x3FA3] =	sst s4  }
0xd: {  	[smem:$0x3FA4] =	sst s5  }
0xe: {  	[smem:$0x3FA5] =	sst s6  }
0xf: {  	[smem:$0x3FA6] =	sst s7  }
0x10: {  	[smem:$0x3FA7] =	sst s8  }
0x11: {  	[smem:$0x3FA8] =	sst s9;
	s0 =	simm.s32 @!p0 $0x0  }
0x12: {  	s1 =	sld [smem:$0x3F8E];
	s0 =	simm.s32 @p0 $0x1  }
0x13: {  	[smem:$0x3FA9] =	sst s0;
	s0 =	simm.s32 @!p1 $0x0  }
0x14: {  	s2 =	sld [smem:$0x3F8D];
	s0 =	simm.s32 @p1 $0x1  }
0x15: {  	[smem:$0x3FAA] =	sst s0;
	s0 =	simm.s32 @!p2 $0x0  }
0x16: {  	s3 =	sld [smem:$0x3FDB];
	s0 =	simm.s32 @p2 $0x1  }
0x17: {  	s4 =	simm.s32 $0x1BF5;
	[smem:$0x3FAC] =	sst s0  }
0x18: {  	s0 =	sld [smem:$0x3F8F];
	_ =	swait.ge [sflag:s4], $0x0  }
0x19: {  	s7 =	sld [smem:$0x3F90]  }
0x1a: {  	s8 =	sadd.s32 $0xFFFFE003, lr  }
0x1b: {  	s9 =	sadd.s32 $0xFFFFFEF7, lr;
	s5 =	simm.s32 $0xFFFFFFFF;
	p2 =	slt.u32 s8, $0xFFFFF086  }
0x1c: {  	p1 =	slt.u32 s9, $0xF7A;
	s5 =	simm.s32 @!p2 $0x0  }
0x1d: {  	s5 =	simm.s32 @p1 $0x1;
	p0 =	seq.s32 s7, s2  }
0x1e: {  	s7 =	smul.u32 @!p0 $0xF7A, s2;
	p2 =	seq.s32 @!p0 s5, $0x0  }
0x1f: {  	s9 =	smul.u32 $0xF7A, s1;
	s8 =	simm.s32 @!p0 $0x1BF5;
	p2 =	por !p2, p0  }
0x20: {  	[sflag:s8] =	ssyncset.s32 @!p0 $0xFFFFF086;
	s6 =	sadd.s32 @!p0 s3, s7;
	s7 =	simm.s32 @!p0 $0x108  }
0x21: {  	s3 =	sadd.s32 s3, s9;
	s6 =	sadd.s32 @!p0 $0x88, s6;
	s7 =	simm.s32 @p2 $0x1082  }
0x22: {  	[simem:s7], [sflag:s8] =	dma.local @!p0 [hbm:s6], $0xF7A  }
0x23: {  	s9 =	sor.u32 $0xD0000000, s2;
	s6 =	simm.s32 $0x108;
	_ =	swait.ge @!p0 [sflag:s8], $0x0  }
0x24: {  	s3 =	sadd.s32 $0x88, s3;
	s6 =	simm.s32 @!p1 $0x1082;
	[sflag:s4] =	ssyncset.s32 $0xFFFFF086  }
0x25: {  	[simem:s6], [sflag:s4] =	dma.local [hbm:s3], $0xF7A  }
0x26: {  	[smem:$0x3F90] =	sst s1;
	(tag) =	ssettag s2;
	_ =	strace s9  }
0x27: {  	s1 =	sld [smem:$0x3FA0]  }
0x28: {  	s2 =	sld [smem:$0x3FA1]  }
0x29: {  	s4 =	sld [smem:$0x3FA3]  }
0x2a: {  	p0 =	seq.s32 s5, $0x0;
	s5 =	sld [smem:$0x3FA4]  }
0x2b: {  	s6 =	sld [smem:$0x3FA5]  }
0x2c: {  	s7 =	sld [smem:$0x3FA6]  }
0x2d: {  	s3 =	simm.s32 $0x108;
	s8 =	sld [smem:$0x3FA7]  }
0x2e: {  	s3 =	simm.s32 @!p0 $0x1082;
	s9 =	sld [smem:$0x3FA8]  }
0x2f: {  	lr =	sadd.s32 s0, s3;
	s0 =	sld [smem:$0x3F9F]  }
0x30: {  	s3 =	sld [smem:$0x3FA2]  }
0x31: {  	[smem:$0x3FAB] =	sst s10  }
0x32: {  	s10 =	sld [smem:$0x3FA9];
	_ =	sdelay $0x3  }
0x33: {  	p0 =	seq.s32 s10, $0x1;
	s10 =	sld [smem:$0x3FAB];
	_ =	sdelay $0x3  }
0x34: {  	[smem:$0x3FAB] =	sst s10  }
0x35: {  	s10 =	sld [smem:$0x3FAA];
	_ =	sdelay $0x3  }
0x36: {  	p1 =	seq.s32 s10, $0x1;
	s10 =	sld [smem:$0x3FAB];
	_ =	sdelay $0x3  }
0x37: {  	[smem:$0x3FAB] =	sst s10  }
0x38: {  	s10 =	sld [smem:$0x3FAC]  }
0x39: {  	_ = 	snop;
	(pc) =	sbr.ind lr, $3  }
0x3a: {  	_ = 	snop  }
0x3b: {  	_ = 	snop  }
0x3c: {  	p2 =	seq.s32 s10, $0x1;
	s10 =	sld [smem:$0x3FAB]  }
0x3d: {  	_ =	shalt  }
0x3e: {  	_ =	shalt  }
0x3f: {  	_ =	shalt  }
0x40: {  	_ =	shalt  }
0x41: {  	_ =	shalt  }
0x42: {  	_ =	shalt  }
0x43: {  	_ =	shalt  }
0x44: {  	_ =	shalt  }
0x45: {  	_ =	shalt  }
0x46: {  	_ =	shalt  }
0x47: {  	_ =	shalt  }
0x48: {  	_ =	shalt  }
0x49: {  	_ =	shalt  }
0x4a: {  	_ =	shalt  }
0x4b: {  	_ =	shalt  }
0x4c: {  	_ =	shalt  }
0x4d: {  	_ =	shalt  }
0x4e: {  	_ =	shalt  }
0x4f: {  	_ =	shalt  }
0x50: {  	_ =	shalt  }
0x51: {  	_ =	shalt  }
0x52: {  	_ =	shalt  }
0x53: {  	_ =	shalt  }
0x54: {  	_ =	shalt  }
0x55: {  	_ =	shalt  }
0x56: {  	_ =	shalt  }
0x57: {  	_ =	shalt  }
0x58: {  	_ =	shalt  }
0x59: {  	_ =	shalt  }
0x5a: {  	_ =	shalt  }
0x5b: {  	_ =	shalt  }
0x5c: {  	_ =	shalt  }
0x5d: {  	_ =	shalt  }
0x5e: {  	_ =	shalt  }
0x5f: {  	_ =	shalt  }
0x60: {  	_ =	shalt  }
0x61: {  	_ =	shalt  }
0x62: {  	_ =	shalt  }
0x63: {  	_ =	shalt  }
0x64: {  	_ =	shalt  }
0x65: {  	_ =	shalt  }
0x66: {  	_ =	shalt  }
0x67: {  	_ =	shalt  }
0x68: {  	_ =	shalt  }
0x69: {  	_ =	shalt  }
0x6a: {  	_ =	shalt  }
0x6b: {  	_ =	shalt  }
0x6c: {  	_ =	shalt  }
0x6d: {  	_ =	shalt  }
0x6e: {  	_ =	shalt  }
0x6f: {  	_ =	shalt  }
0x70: {  	_ =	shalt  }
0x71: {  	_ =	shalt  }
0x72: {  	_ =	shalt  }
0x73: {  	_ =	shalt  }
0x74: {  	_ =	shalt  }
0x75: {  	_ =	shalt  }
0x76: {  	_ =	shalt  }
0x77: {  	_ =	shalt  }
0x78: {  	_ =	shalt  }
0x79: {  	_ =	shalt  }
0x7a: {  	_ =	shalt  }
0x7b: {  	_ =	shalt  }
0x7c: {  	_ =	shalt  }
0x7d: {  	_ =	shalt  }
0x7e: {  	_ =	shalt  }
0x7f: {  	_ =	shalt  }
0x80: {  	_ =	shalt  }
0x81: {  	_ =	shalt  }
0x82: {  	_ =	shalt  }
0x83: {  	_ =	shalt  }
0x84: {  	_ =	shalt  }
0x85: {  	_ =	shalt  }
0x86: {  	_ =	shalt  }
0x87: {  	_ =	shalt  }
.Lfunc_end0:
.L_simem_size_0:
called_computation_lowered:
.L_overlay_start_0:
0x88: {  	s2 =	sld [smem:$0x3FD9]  }
0x89: {  	s3 =	sld [smem:$0x3FFE];
	_ =	sdelay $0x1  }
0x8a: {  	s1 =	srdreg.scid  }
0x8b: {  	s0 =	sand.u32 $0x1, s1  }
0x8c: {  	s15 =	sshll.u32 s0, $0xA;
	s2 =	sadd.s32 s3, s2  }
0x8d: {  	s2 =	sadd.s32 s2, s15  }
0x8e: {  	[smem:$0x3FB7] =	sst s2  }
0x8f: {  	_ = 	snop  }
0x90: {  	s2 =	sld [smem:$0x3FD0];
	_ =	sdelay $0x2  }
0x91: {  	s4 =	simm.s32 $0xA;
	s5 =	simm.s32 $0x10;
	s16 =	sld [smem:$0x3FC8]  }
0x92: {  	[smem:s5], [sflag:s4] =	dma.local [hbm:s2], $0x1  }
0x93: {  	_ =	swait.eq [sflag:s4], $0x1  }
0x94: {  	[sflag:s4] =	ssyncset.done $0x0  }
0x95: {  	s17 =	sld [smem:$0x11];
	[sflag:s4] =	ssyncadd.s32 $0xFFFFFFFF  }
0x96: {  	s18 =	sld [smem:$0x12];
	(tm) =	ssettm $0x1  }
0x97: {  	s19 =	sld [smem:$0x3FFB];
	_ =	sdelay $0x3  }
0x98: {  	_ =	strace s19  }
0x99: {  	s5 =	sld [smem:$0x3FFC];
	_ =	sdelay $0x3  }
0x9a: {  	_ =	strace s5  }
0x9b: {  	s5 =	sld [smem:$0x3FFD];
	_ =	sdelay $0x3  }
0x9c: {  	_ =	strace s5  }
0x9d: {  	_ =	strace $0x8FFFFFFF  }
0x9e: {  	s20 =	sld [smem:$0x3FDB];
	_ =	sdelay $0x1  }
0x9f: {  	s6 =	simm.s32 $_scs_section_size  }
0xa0: {  	s7 =	simm.s32 $_size__tile_overlayer_lowered;
	s8 =	simm.s32 $_tile_overlayer_lowered  }
0xa1: {  	s23 =	simm.s32 $0x1BFF;
	s22 =	sshll.u32 s8, $0x1;
	s5 =	sadd.s32 s6, s20  }
0xa2: {  	s9 =	simm.s32 $0x0;
	s21 =	sshll.u32 s7, $0x1;
	s7 =	sadd.s32 s22, s5  }
0xa3: {  	[timem:s9], [sflag:s23] =	dma.local [hbm:s7], s21  }
0xa4: {  	_ =	swait.ge [sflag:s23], s21  }
0xa5: {  	s6 =	ssub.s32 $0x0, s21;
	[sflag:s23] =	ssyncset.done $0x0  }
0xa6: {  	[sflag:s23] =	ssyncadd.s32 s6;
	_ =	sdelay $0x1  }
0xa7: {  	s24 =	simm.s32 $0x1B8B  }
0xa8: {  	_ =	swait.ge [sflag:s24], $0x1  }
0xa9: {  	[sflag:s24] =	ssyncset.done $0x0  }
0xaa: {  	s25 =	simm.s32 $0x1B8E;
	[sflag:s24] =	ssyncadd.s32 $0xFFFFFFFF  }
0xab: {  	s26 =	simm.s32 $execute0_lowered;
	[smem:$0x3FD2] =	sst s25  }
0xac: {  	s6 =	sshll.u32 s26, $0x1;
	_ =	strace $0x80000046;
	[dreg:$0x1] =	wrdreg $0xFFFFFFFF  }
0xad: {  	s28 =	simm.s32 $_size_execute0_lowered;
	s5 =	sadd.s32 s5, s6;
	[dreg:$0x0] =	wrdreg $0x0  }
0xae: {  	s6 =	sshll.u32 s28, $0x1;
	[dreg:$0x2] =	wrdreg s5  }
0xaf: {  	[dreg:$0x3] =	wrdreg s6  }
0xb0: {  	[dreg:$0x4] =	wrdreg $0xC0  }
0xb1: {  	_ =	task [dreg:s9], $0x5FFFF  }
0xb2: {  	[dreg:$0x1] =	wrdreg $0xFFFFFFFF  }
0xb3: {  	[dreg:$0x0] =	wrdreg $0x60  }
0xb4: {  	[dreg:$0x2] =	wrdreg s16  }
0xb5: {  	[dreg:$0x3] =	wrdreg s18  }
0xb6: {  	[dreg:$0x4] =	wrdreg s17  }
0xb7: {  	[dreg:$0x5] =	wrdreg $0x9  }
0xb8: {  	_ =	task.clear_ibuf [dreg:s9], $0x6FFFF;
	_ =	strace $0x90000046  }
0xb9: {  	s29 =	simm.s32 $0x9;
	_ =	strace $0x80000048  }
0xba: {  	_ =	swait.ge [sflag:s29], $0x1  }
0xbb: {  	[sflag:s29] =	ssyncadd.s32 $0xFFFFFFFF  }
0xbc: {  	_ =	strace $0x90000048  }
0xbd: {  	_ =	sfence  }
0xbe: {  	s30 =	sld [smem:$0x0];
	_ =	sdelay $0x2  }
0xbf: {  	s31 =	sshll.u32 s1, $0xD;
	s1 =	sshrl.u32 s1, $0x2  }
0xc0: {  	s3 =	sand.u32 $0x4000, s31;
	s1 =	sadd.s32 s1, s30  }
0xc1: {  	s0 =	sor.u32 s3, s0;
	s1 =	sshll.u32 s1, $0x11  }
0xc2: {  	s0 =	sor.u32 s1, s0  }
0xc3: {  	s0 =	sadd.s32 $0x8F2B, s0  }
0xc4: {  	[sflag:s0] =	ssyncadd.remote.s32 $0x1  }
0xc5: {  	_ =	sfence.sel $0xFFFF  }
0xc6: {  	[dreg:$0x0] =	wrdreg $0xFFFFFFFF;
	(pc) =	sbr.abs _section_cstart, $3  }
0xc7: {  	[dreg:$0x1] =	wrdreg $0xFFFFFFFF  }
0xc8: {  	_ =	task.clear_ibuf [dreg:s9], $0x2FFFF;
	_ =	strace $0x9FFFFFFF  }
0xc9: {  	(tm) =	ssettm $0x7FFFFFFF  }
tec
execute0_lowered:
.L_overlay_start_1:
0x0: {  	(tag) =	ssettag $0x1  }
0x1: {  	s2 =	rddreg [dreg:$0x0]  }
0x2: {  	s3 =	rddreg [dreg:$0x1]  }
0x3: {  	s4 =	rddreg [dreg:$0x2]  }
0x4: {  	s0 =	rddreg [dreg:$0x3];
	s1 =	srdreg.scid  }
0x5: {  	_ =	strace $0x80000047;
	s5 =	simm.s32 $0x1;
	s6 =	sshll.u32 s1, $0x4  }
.Ltmp0:
0x6: {  	s1 =	stileid.u32;
	s6 =	sand.u32 $0x10, s6;
	(pc) =	sbr.rel .LBB2_1-.Ltmp0, $4  }
0x7: {  	s9 =	simm.s32 $0x3;
	s12 =	simm.s32 $0x0;
	s7 =	sor.u32 s1, s6  }
0x8: {  	[sflag:s5] =	ssyncpa.u1 $0x0;
	s6 =	simm.s32 $0x2;
	s7 =	sshll.u32 s7, $0x6  }
0x9: {  	s10 =	simm.s32 $0x0;
	[sflag:s6] =	ssyncpa.u1 $0x0;
	s8 =	sadd.s32 $0x40, s7  }
0xa: {  	vm0 =	vmmov $0xff;
	vm1 =	vcmask $0x3F20;
	[sflag:s9] =	ssyncpa.u1 $0x0;
	s9 =	simm.s32 $0x40;
	s11 =	smov.u32 s7  }
.LBB2_11:
0xb: {  	p0 =	seq.s32 s10, $0x2  }
.Ltmp1:
0xc: {  	_ = 	snop;
	(pc) =	sbr.rel @p0 .LBB2_13-.Ltmp1, $1  }
0xd: {  	_ =	sdelay $0x3  }
.LBB2_12:
0xe: {  	s12 =	sadd.s32 $0x40, s11  }
0xf: {  	s13 =	smov.u32 s7;
	p0 =	slt.s32 s12, s8  }
0x10: {  	s13 =	smov.u32 @p0 s12  }
0x11: {  	s10 =	sadd.s32 $0x1, s10;
	s12 =	smov.u32 s11;
	s11 =	smov.u32 s13  }
.LBB2_1:
0x12: {  	p0 =	sne.s32 s10, $0x0  }
.Ltmp2:
0x13: {  	_ = 	snop;
	(pc) =	sbr.rel @!p0 .LBB2_2-.Ltmp2, $1  }
0x14: {  	_ =	sdelay $0x3  }
0x15: {  	s13 =	sand.u32 $0x1, s10  }
0x16: {  	p0 =	seq.s32 s13, $0x0  }
.Ltmp3:
0x17: {  	_ = 	snop;
	(pc) =	sbr.rel @p0 .LBB2_11-.Ltmp3, $1  }
0x18: {  	_ =	sdelay $0x3  }
0x19: {  	_ =	swait.ge [sflag:s6], $0x40  }
0x1a: {  	[sflag:s6] =	ssyncset.done $0x0  }
0x1b: {  	s13 =	simm.s32 $0x0;
	s14 =	simm.s32 $0x80;
	[sflag:s6] =	ssyncadd.s32 $0xFFFFFFC0  }
.LBB2_5:
0x1c: {  	s15 =	sshll.u32 s13, $0x4  }
0x1d: {  	s15 =	sand.u32 $0x3FFFFFF0, s15  }
0x1e: {  	v0 =	vld.msk [tilespmem:s15+$0x40 ss:$0x1], $0xffff;
	_ =	sdelay $0x4  }
0x1f: {  	vm2 =	vgt.s32 v0, $0x0  }
0x20: {  	v0 =	vnsel vm2, $0x0, v0  }
0x21: {  	v0 =	vmin.u32 v0, $0x3FFF  }
0x22: {  	v1 =	vshrl.u32 v0, $0x3  }
0x23: {  	v0 =	vshll.u32 v0, $0x7;
	v1 =	vmul.u32 $0x1800, v1  }
0x24: {  	v0 =	vand.u32 $0x380, v0  }
0x25: {  	v0 =	vor.u32 v0, v1  }
0x26: {  	v0 =	vshrl.u32 v0, $0x3;
	_ =	sdelay $0x2  }
0x27: {  	s16 =	sadd.s32 $0xFFFFE800, s14  }
0x28: {  	s31 =	sadd.s32 $0xD800, s16;
	s16 =	sadd.s32 $0xF000, s16;
	s15 =	simm.s32 $0xFFFFB000  }
0x29: {  	v1 =	vadd.s32 $0x80, v0;
	[tilespmem:s31], [sflag:$0x1] =	stream.indirect_vreg.gather [hbm:s2], $0x80, v0, vm0, $0x38;
	[tilespmem:$0x18080] =	vst v63  }
.LBB2_6:
0x2a: {  	[tilespmem:s16], [sflag:$0x1] =	stream.indirect_vreg.gather [hbm:s2], $0x80, v0, vm1, $0x38;
	[tilespmem:$0x18080] =	vst v63  }
0x2b: {  	v0 =	vmov v1;
	p0 =	sne.s32 s15, $0xFFFFF000  }
.Ltmp4:
0x2c: {  	s16 =	sshra.s32 s15, $0x2;
	(pc) =	sbr.rel @p0 .LBB2_6-.Ltmp4, $4  }
0x2d: {  	s15 =	sadd.s32 $0x1000, s15;
	s16 =	sadd.s32 s16, s14  }
0x2e: {  	s17 =	sadd.s32 $0xD800, s16  }
0x2f: {  	[tilespmem:s17], [sflag:$0x1] =	stream.indirect_vreg.gather [hbm:s2], $0x80, v1, vm0, $0x38;
	[tilespmem:$0x18080] =	vst v63  }
0x30: {  	s16 =	sadd.s32 $0xF000, s16;
	v1 =	vadd.s32 $0x80, v1  }
0x31: {  	s13 =	sadd.s32 $0x1, s13  }
0x32: {  	p0 =	sne.s32 s13, $0x4  }
.Ltmp5:
0x33: {  	_ = 	snop;
	(pc) =	sbr.rel @p0 .LBB2_5-.Ltmp5, $3  }
0x34: {  	_ =	sdelay $0x1  }
0x35: {  	[tilespmem:s16], [sflag:$0x1] =	stream.indirect_vreg.gather [hbm:s2], $0x80, v0, vm1, $0x38;
	[tilespmem:$0x18080] =	vst v63  }
0x36: {  	s14 =	sadd.s32 $0x3000, s14  }
0x37: {  	s13 =	sshrl.u32 s12, $0x3  }
0x38: {  	s13 =	smul.u32 $0x300, s13  }
0x39: {  	_ =	swait.ge [sflag:s5], $0xC000;
	s31 =	sshll.u32 s12, $0x4  }
0x3a: {  	s14 =	simm.s32 $0x300;
	s12 =	sand.u32 $0x70, s31;
	s13 =	sadd.s32 s13, s4  }
0x3b: {  	s15 =	simm.s32 $0xD880;
	[sflag:s5] =	ssyncset.done $0x0;
	s12 =	sadd.s32 s12, s13  }
0x3c: {  	[sflag:s5] =	ssyncadd.s32 $0xFFFF4000;
	s13 =	simm.s32 $0xC080;
	s16 =	sadd.s32 $0x0, s12  }
.LBB2_9:
0x3d: {  	[hbm:s16] =	stream.linear.scatter [tilespmem:s13], [sflag:$0x3], $0x1800, $0x38;
	[tilespmem:$0x18080] =	vst v63  }
0x3e: {  	s16 =	smov.u32 s14;
	s13 =	smov.u32 s15;
	p0 =	sne.s32 s14, $0x1500  }
.Ltmp6:
0x3f: {  	s14 =	sadd.s32 $0x300, s14;
	(pc) =	sbr.rel @p0 .LBB2_9-.Ltmp6, $2  }
0x40: {  	_ =	sdelay $0x2  }
0x41: {  	s15 =	sadd.s32 $0x1800, s15;
	s16 =	sadd.s32 s16, s12  }
.Ltmp7:
0x42: {  	(pc) =	sbr.rel .LBB2_11-.Ltmp7, $2  }
0x43: {  	_ =	sdelay $0x2  }
0x44: {  	[hbm:s16] =	stream.linear.scatter [tilespmem:s13], [sflag:$0x3], $0x1800, $0x38;
	[tilespmem:$0x18080] =	vst v63  }
.LBB2_2:
.Ltmp8:
0x45: {  	(pc) =	sbr.rel .LBB2_12-.Ltmp8, $4  }
0x46: {  	_ = 	snop  }
0x47: {  	s12 =	sshrl.u32 s11, $0x3  }
0x48: {  	s13 =	sand.u32 $0x7, s11;
	s12 =	sadd.s32 s3, s12  }
0x49: {  	[tilespmem:s9], [sflag:$0x2] =	stream.linear.gather [hbm4b:s12+s13], $0x40, $0x38;
	[tilespmem:$0x18080] =	vst v63  }
.LBB2_13:
0x4a: {  	s2 =	simm.s32 $0x3  }
0x4b: {  	_ =	swait.ge [sflag:s2], $0xC000  }
0x4c: {  	[sflag:s2] =	ssyncset.done $0x0  }
0x4d: {  	[sflag:s2] =	ssyncadd.s32 $0xFFFF4000  }
0x4e: {  	_ =	sfence.sel $0x180000  }
0x4f: {  	s3 =	simm.s32 $0x2;
	[bflag:$0x0] =	sbarrier.arrive $0xFFFF  }
0x50: {  	[sflag:s3] =	ssyncpa.u1 $0x1  }
0x51: {  	s31 =	simm.s32 $0x1;
	[sflag:s2] =	ssyncpa.u1 $0x1  }
0x52: {  	[sflag:s31] =	ssyncpa.u1 $0x1  }
0x53: {  	p0 =	sne.s32 s1, $0x0;
	_ =	strace $0x90000047  }
0x54: {  	s0 =	sadd.s32 @!p0 $0x100000, s0;
	[bflag:$0x2] =	sbarrier.arrive $0xFFFF  }
0x55: {  	[sflag:s0] =	ssyncadd.tile.s32 @!p0 $0x1;
	_ =	shalt  }
.Lfunc_end2:
_tile_overlayer_lowered:
.L_overlay_start_2:
0x56: {  	(tag) =	ssettag $0x2  }
0x57: {  	s0 =	rddreg [dreg:$0x0];
	s2 =	stileid.u32  }
0x58: {  	s1 =	rddreg [dreg:$0x1];
	p0 =	sne.s32 s2, $0x0  }
0x59: {  	s3 =	rddreg [dreg:$0x2];
	[bflag:$0x3] =	sbarrier.arrive $0xFFFF;
	s2 =	simm.s32 @!p0 $0x1C01  }
0x5a: {  	[timem:s3], [sflag:s2] =	dma.local @!p0 [hbm:s0], s1  }
0x5b: {  	s0 =	simm.s32 @!p0 $0x1  }
0x5c: {  	_ =	swait.ge @!p0 [sflag:s0], s1  }
0x5d: {  	s1 =	ssub.s32 @!p0 $0x0, s1;
	[sflag:s0] =	ssyncset.done @!p0 $0x0  }
0x5e: {  	[sflag:s0] =	ssyncadd.s32 @!p0 s1  }
0x5f: {  	[bflag:$0x3] =	sbarrier.arrive $0xFFFF  }
0x60: {  	_ =	shalt  }

</sc_bundles>
